<compile_context>
chip_gen: v7x
topology: tpu7x:2x2x1
jax: 0.10.2.dev20260603
libtpu: 0.0.44.dev20260713+nightly
codegen_flags: <defaults>
</compile_context>

<pallas_src>
import functools

import jax
import jax.numpy as jnp
from jax import lax
from jax.experimental import pallas as pl
from jax.experimental.pallas import tpu as pltpu
from jax.experimental.pallas import tpu_sc as plsc

_LABEL_SMOOTHING = 0.1
_CONFIDENCE = 1.0 - _LABEL_SMOOTHING
_RB = 32
_NS = 1
_NC = 2


def _xlogy(x):
    safe = jnp.where(x > 0, x, 1.0)
    return jnp.where(x > 0, x * jnp.log(safe), 0.0)


def _xlogy_const(x):
    import math
    return x * math.log(x) if x > 0 else 0.0


def _dense_body(h_ref, *refs, b):
    j = pl.program_id(0)
    blk_refs, res_ref = refs[:-1], refs[-1]
    h = h_ref[...]

    colsum = jnp.sum(blk_refs[0][...], axis=0, keepdims=True)
    for r in blk_refs[1:]:
        colsum += jnp.sum(r[...], axis=0, keepdims=True)
    res_ref[...] = jnp.full((1, 1, 128), -jnp.sum(colsum * h),
                            dtype=jnp.float32)

    @pl.when(j == 0)
    def _():
        res_ref[...] += jnp.full((1, 1, 128), b * jnp.sum(_xlogy(h)),
                                 dtype=jnp.float32)


def _dense_partial(one_hot, output):
    b, v = output.shape
    nb = b // (_RB * _NS)
    in_specs = [pl.BlockSpec((1, v), lambda j: (0, 0))]
    for q in range(_NS):
        in_specs.append(
            pl.BlockSpec((_RB, v), functools.partial(
                lambda j, q: (_NS * j + q, 0), q=q))
        )
    return pl.pallas_call(
        functools.partial(_dense_body, b=b),
        grid=(nb,),
        in_specs=in_specs,
        out_specs=pl.BlockSpec((1, 1, 128), lambda j: (j, 0, 0)),
        out_shape=jax.ShapeDtypeStruct((nb, 1, 128), jnp.float32),
        compiler_params=pltpu.CompilerParams(
            dimension_semantics=("parallel",),
        ),
    )(one_hot, *([output] * _NS))


def _sc_gather(output, cols128):
    b, v = output.shape
    per_core = b // _NC

    mesh = plsc.ScalarSubcoreMesh(axis_name="c", num_cores=_NC)

    @functools.partial(
        pl.kernel,
        out_type=jax.ShapeDtypeStruct((8 * b, 128), jnp.float32),
        mesh=mesh,
        scratch_types=[
            pltpu.SMEM((per_core,), jnp.int32),
            pltpu.SemaphoreType.DMA,
            pltpu.SemaphoreType.DMA,
        ],
    )
    def gather_kernel(out_hbm, c128_hbm, g_hbm, tbuf, sem_t, sem_g):
        cid = lax.axis_index("c")
        base = cid * per_core
        pltpu.async_copy(
            c128_hbm.at[pl.ds(base, per_core)], tbuf, sem_t
        ).wait()

        @pl.loop(0, per_core)
        def _(i):
            c128 = pl.multiple_of(tbuf[i], 128)
            row0 = pl.multiple_of(base + (i // 8) * 8, 8)
            pltpu.async_copy(
                out_hbm.at[pl.ds(row0, 8), pl.ds(c128, 128)],
                g_hbm.at[pl.ds(pl.multiple_of((base + i) * 8, 8), 8), :],
                sem_g,
            )

        pltpu.make_async_copy(
            out_hbm.at[pl.ds(0, 8 * per_core), pl.ds(0, 128)],
            g_hbm.at[pl.ds(8 * base, 8 * per_core), :],
            sem_g,
        ).wait()

    return gather_kernel(output, cols128)


def _combine_body(p_ref, off_ref, g_ref, res_ref, *, b, smooth):
    off = off_ref[...]
    g = g_ref[...]
    lane = jax.lax.broadcasted_iota(jnp.int32, g.shape, 1)
    gsum = jnp.sum(jnp.where(lane == off, g, 0.0))
    const = b * (_xlogy_const(_CONFIDENCE) - _xlogy_const(smooth))
    ptot = jnp.sum(p_ref[...]) / 128.0
    res_ref[0, 0] = ptot + const - (_CONFIDENCE - smooth) * gsum


@jax.jit
def kernel(output, target, one_hot):
    b, v = output.shape
    smooth = _LABEL_SMOOTHING / (v - 2)
    tgt = target.astype(jnp.int32)
    cols128 = tgt & ~127
    i = jnp.arange(8 * b, dtype=jnp.int32)
    off = jnp.where(
        i % 8 == (i // 8) % 8, jnp.repeat(tgt & 127, 8), -1
    ).reshape(8 * b, 1)

    g = _sc_gather(output, cols128)
    parts = _dense_partial(one_hot, output)
    parts = parts.reshape(parts.shape[0], 128)
    nb = parts.shape[0]

    res = pl.pallas_call(
        functools.partial(_combine_body, b=b, smooth=smooth),
        in_specs=[
            pl.BlockSpec((nb, 128), lambda: (0, 0)),
            pl.BlockSpec((8 * b, 1), lambda: (0, 0)),
            pl.BlockSpec((8 * b, 128), lambda: (0, 0)),
        ],
        out_specs=pl.BlockSpec(memory_space=pltpu.SMEM),
        out_shape=jax.ShapeDtypeStruct((1, 1), jnp.float32),
    )(parts, off, g)
    return res[0, 0]

# --- scband reference (transcript-rebuilt; emitter-appended) ---
"""Pipeline reference for scband-label-smoothing-loss-75969381532285 (READ-ONLY COPY).

The authoritative reference and input builder live on the scoring server;
editing this copy changes nothing except your own understanding.
"""

import jax, jax.numpy as jnp
import numpy as np

B = 1024
V = 100000
LABEL_SMOOTHING = 0.1
CONFIDENCE = 1.0 - LABEL_SMOOTHING
SMOOTHING_VALUE = LABEL_SMOOTHING / (V - 2)
IGNORE_INDEX = -100


def setup_inputs(seed: int = 0) -> dict:
    key = jax.random.key(seed)
    k1, k2 = jax.random.split(key)
    output = jax.random.normal(k1, (B, V), dtype=jnp.float32)
    target = jax.random.randint(k2, (B,), 0, V, dtype=jnp.int64 if jax.config.jax_enable_x64 else jnp.int32)
    one_hot = jnp.full((1, V), SMOOTHING_VALUE, dtype=jnp.float32)
    return {"output": output, "target": target, "one_hot": one_hot}


def reference(output, target, one_hot):
    b = target.shape[0]
    # model_prob = one_hot.repeat(B, 1)
    model_prob = jnp.repeat(one_hot, b, axis=0)
    # scatter_(1, target.unsqueeze(1), confidence)
    model_prob = model_prob.at[jnp.arange(b), target].set(CONFIDENCE)
    # masked_fill_((target == ignore_index).unsqueeze(1), 0)
    mask = (target == IGNORE_INDEX)[:, None]
    model_prob = jnp.where(mask, 0.0, model_prob)
    # F.kl_div(output, model_prob, reduction='sum') with output = log-probs input:
    # pointwise: target * (log(target) - input), with xlogy semantics at target==0
    kl = jax.scipy.special.xlogy(model_prob, model_prob) - model_prob * output
    return jnp.sum(kl)

if __name__ == "__main__":
    import jax
    _d = setup_inputs()
    print(jax.jit(kernel)(*tuple(_d.values())))

</pallas_src>

<mosaic_0001>
#map = affine_map<(d0) -> (0, 0)>
#map1 = affine_map<(d0) -> (0)>
module attributes {stable_mosaic.version = 14 : i64} {
  func.func @gather_kernel(%arg0: i32, %arg1: memref<1024x100000xf32, #tpu.memory_space<hbm>>, %arg2: memref<1024xi32, #tpu.memory_space<hbm>>, %arg3: memref<8192x128xf32, #tpu.memory_space<hbm>>, %arg4: memref<512xi32, #tpu.memory_space<smem>>, %arg5: memref<!tpu.dma_semaphore, #tpu.memory_space<semaphore_mem>>, %arg6: memref<!tpu.dma_semaphore, #tpu.memory_space<semaphore_mem>>) attributes {dimension_semantics = [#tpu.dimension_semantics<core_parallel>], iteration_bounds = array<i64: 2>, scalar_prefetch = 0 : i64, scratch_operands = 3 : i64, tpu.core_type = #tpu.core_type<sc_scalar_subcore>, window_params = [{transform_indices = #map}, {transform_indices = #map1}, {transform_indices = #map}]} {
    %mul3A = arith.constant 512 : i32
    %mul3A_0 = arith.muli %arg0, %mul3A : i32
    %dma_start3A = tpu.memref_slice %arg2[%mul3A_0] : memref<1024xi32, #tpu.memory_space<hbm>> -> memref<512xi32, #tpu.memory_space<hbm>>
    tpu.enqueue_dma source(%dma_start3A : memref<512xi32, #tpu.memory_space<hbm>>) target(%arg4 : memref<512xi32, #tpu.memory_space<smem>>) target_semaphore(%arg5 : memref<!tpu.dma_semaphore, #tpu.memory_space<semaphore_mem>>)
    %dma_wait3A = tpu.memref_slice %arg2[%mul3A_0] : memref<1024xi32, #tpu.memory_space<hbm>> -> memref<512xi32, #tpu.memory_space<hbm>>
    tpu.wait_dma2 semaphore(%arg5 : memref<!tpu.dma_semaphore, #tpu.memory_space<semaphore_mem>>) src(%dma_wait3A : memref<512xi32, #tpu.memory_space<hbm>>) dst(%arg4 : memref<512xi32, #tpu.memory_space<smem>>)
    %scan3A = arith.constant 0 : i32
    %scan3A_1 = arith.constant 512 : i32
    %scan3A_2 = arith.addi %scan3A, %scan3A_1 : i32
    %scan3A_3 = arith.constant 1 : i32
    scf.for %scan3A_12 = %scan3A to %scan3A_2 step %scan3A_3  : i32 {
      %mul3A_13 = arith.constant 1 : i32
      %mul3A_14 = arith.muli %scan3A_12, %mul3A_13 : i32
      %add3A = arith.constant 0 : i32
      %add3A_15 = arith.addi %add3A, %mul3A_14 : i32
      %get3A = arith.index_cast %add3A_15 : i32 to index
      %get3A_16 = memref.load %arg4[%get3A] : memref<512xi32, #tpu.memory_space<smem>>
      %multiple_of3A = tpu.assume_multiple %get3A_16, 128 : i32
      %jit3A = arith.constant 8 : i32
      %div3A = arith.divsi %add3A_15, %jit3A : i32
      %sign3A = arith.constant 0 : i32
      %sign3A_17 = arith.cmpi sgt, %add3A_15, %sign3A : i32
      %sign3A_18 = arith.extui %sign3A_17 : i1 to i32
      %sign3A_19 = arith.constant 0 : i32
      %sign3A_20 = arith.cmpi slt, %add3A_15, %sign3A_19 : i32
      %sign3A_21 = arith.extui %sign3A_20 : i1 to i32
      %sign3A_22 = arith.subi %sign3A_18, %sign3A_21 : i32
      %sign3A_23 = arith.constant 0 : i32
      %sign3A_24 = arith.cmpi sgt, %jit3A, %sign3A_23 : i32
      %sign3A_25 = arith.extui %sign3A_24 : i1 to i32
      %sign3A_26 = arith.constant 0 : i32
      %sign3A_27 = arith.cmpi slt, %jit3A, %sign3A_26 : i32
      %sign3A_28 = arith.extui %sign3A_27 : i1 to i32
      %sign3A_29 = arith.subi %sign3A_25, %sign3A_28 : i32
      %ne3A = arith.cmpi ne, %sign3A_22, %sign3A_29 : i32
      %rem3A = arith.remsi %add3A_15, %jit3A : i32
      %ne3A_30 = arith.constant 0 : i32
      %ne3A_31 = arith.cmpi ne, %rem3A, %ne3A_30 : i32
      %and3A = arith.andi %ne3A, %ne3A_31 : i1
      %sub3A = arith.constant 1 : i32
      %sub3A_32 = arith.subi %div3A, %sub3A : i32
      %select_n3A = arith.select %and3A, %sub3A_32, %div3A : i32
      %mul3A_33 = arith.constant 8 : i32
      %mul3A_34 = arith.muli %select_n3A, %mul3A_33 : i32
      %add3A_35 = arith.addi %mul3A_0, %mul3A_34 : i32
      %multiple_of3A_36 = tpu.assume_multiple %add3A_35, 8 : i32
      %add3A_37 = arith.addi %mul3A_0, %add3A_15 : i32
      %mul3A_38 = arith.constant 8 : i32
      %mul3A_39 = arith.muli %add3A_37, %mul3A_38 : i32
      %multiple_of3A_40 = tpu.assume_multiple %mul3A_39, 8 : i32
      %dma_start3A_41 = arith.constant 0 : i32
      %dma_start3A_42 = tpu.memref_slice %arg3[%multiple_of3A_40, %dma_start3A_41] : memref<8192x128xf32, #tpu.memory_space<hbm>> -> memref<8x128xf32, #tpu.memory_space<hbm>>
      %dma_start3A_43 = tpu.memref_slice %arg1[%multiple_of3A_36, %multiple_of3A] : memref<1024x100000xf32, #tpu.memory_space<hbm>> -> memref<8x128xf32, #tpu.memory_space<hbm>>
      tpu.enqueue_dma source(%dma_start3A_43 : memref<8x128xf32, #tpu.memory_space<hbm>>) target(%dma_start3A_42 : memref<8x128xf32, #tpu.memory_space<hbm>>) target_semaphore(%arg6 : memref<!tpu.dma_semaphore, #tpu.memory_space<semaphore_mem>>)
    }
    %scan3A_4 = arith.constant 512 : i32
    %mul3A_5 = arith.constant 8 : i32
    %mul3A_6 = arith.muli %mul3A_5, %mul3A_0 : i32
    %dma_wait3A_7 = arith.constant 0 : i32
    %dma_wait3A_8 = tpu.memref_slice %arg3[%mul3A_6, %dma_wait3A_7] : memref<8192x128xf32, #tpu.memory_space<hbm>> -> memref<4096x128xf32, #tpu.memory_space<hbm>>
    %dma_wait3A_9 = arith.constant 0 : i32
    %dma_wait3A_10 = arith.constant 0 : i32
    %dma_wait3A_11 = tpu.memref_slice %arg1[%dma_wait3A_9, %dma_wait3A_10] : memref<1024x100000xf32, #tpu.memory_space<hbm>> -> memref<4096x128xf32, #tpu.memory_space<hbm>>
    tpu.wait_dma2 semaphore(%arg6 : memref<!tpu.dma_semaphore, #tpu.memory_space<semaphore_mem>>) src(%dma_wait3A_11 : memref<4096x128xf32, #tpu.memory_space<hbm>>) dst(%dma_wait3A_8 : memref<4096x128xf32, #tpu.memory_space<hbm>>)
    return
  }
}

module attributes {stable_mosaic.version = 14 : i64} {
  func.func @_dense_body(%arg0: i32, %arg1: memref<1x100000xf32, #tpu.memory_space<vmem>>, %arg2: memref<32x100000xf32, #tpu.memory_space<vmem>>, %arg3: memref<1x1x128xf32, #tpu.memory_space<vmem>>) attributes {dimension_semantics = [#tpu.dimension_semantics<parallel>], iteration_bounds = array<i64: 32>, scalar_prefetch = 0 : i64, scratch_operands = 0 : i64, tpu.core_type = #tpu.core_type<tc>, window_params = [{pipeline_mode = #tpu.pipeline_mode<synchronous>, transform_indices = @transform_0, window_bounds = array<i64: 1, 100000>}, {transform_indices = @transform_1, window_bounds = array<i64: 32, 100000>}, {transform_indices = @transform_2, window_bounds = array<i64: 1, 1, 128>}]} {
    %get3A = arith.constant 0 : index
    %get3A_0 = arith.constant 0 : index
    %get3A_1 = vector.load %arg1[%get3A, %get3A_0] : memref<1x100000xf32, #tpu.memory_space<vmem>>, vector<1x100000xf32>
    %get3A_2 = arith.constant 0 : index
    %get3A_3 = arith.constant 0 : index
    %get3A_4 = vector.load %arg2[%get3A_2, %get3A_3] : memref<32x100000xf32, #tpu.memory_space<vmem>>, vector<32x100000xf32>
    %reduce_sum3A = arith.constant dense<0.000000e+00> : vector<100000xf32>
    %reduce_sum3A_5 = vector.multi_reduction <add>, %get3A_4, %reduce_sum3A [0] : vector<32x100000xf32> to vector<100000xf32>
    %broadcast_in_dim3A = vector.shape_cast %reduce_sum3A_5 : vector<100000xf32> to vector<1x100000xf32>
    %mul3A = arith.mulf %broadcast_in_dim3A, %get3A_1 : vector<1x100000xf32>
    %reduce_sum3A_6 = vector.shape_cast %mul3A : vector<1x100000xf32> to vector<1x1x100000xf32>
    %reduce_sum3A_7 = arith.constant dense<0.000000e+00> : vector<1xf32>
    %reduce_sum3A_8 = vector.multi_reduction <add>, %reduce_sum3A_6, %reduce_sum3A_7 [1, 2] : vector<1x1x100000xf32> to vector<1xf32>
    %reduce_sum3A_9 = vector.shape_cast %reduce_sum3A_8 : vector<1xf32> to vector<1x1x1xf32>
    %reduce_sum3A_10 = vector.extract %reduce_sum3A_9[0, 0, 0] : f32 from vector<1x1x1xf32>
    %neg3A = arith.constant 0.000000e+00 : f32
    %neg3A_11 = arith.subf %neg3A, %reduce_sum3A_10 : f32
    %broadcast_in_dim3A_12 = vector.broadcast %neg3A_11 : f32 to vector<1x1x128xf32>
    %swap3A = arith.constant 0 : index
    %swap3A_13 = arith.constant 0 : index
    %swap3A_14 = arith.constant 0 : index
    %swap3A_15 = vector.load %arg3[%swap3A, %swap3A_13, %swap3A_14] : memref<1x1x128xf32, #tpu.memory_space<vmem>>, vector<1x1x128xf32>
    tpu.vector_store %arg3[%swap3A, %swap3A_13, %swap3A_14], %broadcast_in_dim3A_12 {strides = array<i32>} : memref<1x1x128xf32, #tpu.memory_space<vmem>>, vector<1x1x128xf32>,
    %eq3A = arith.constant 0 : i32
    %eq3A_16 = arith.cmpi eq, %arg0, %eq3A : i32
    %convert_element_type3A = arith.extui %eq3A_16 : i1 to i32
    %cond3A = arith.constant 0 : i32
    %cond3A_17 = arith.cmpi ne, %convert_element_type3A, %cond3A : i32
    scf.if %cond3A_17 {
      %get3A_18 = arith.constant 0 : index
      %get3A_19 = arith.constant 0 : index
      %get3A_20 = arith.constant 0 : index
      %get3A_21 = vector.load %arg3[%get3A_18, %get3A_19, %get3A_20] : memref<1x1x128xf32, #tpu.memory_space<vmem>>, vector<1x1x128xf32>
      %gt3A = arith.constant 0.000000e+00 : f32
      %gt3A_22 = vector.broadcast %gt3A : f32 to vector<1x100000xf32>
      %gt3A_23 = arith.cmpf ogt, %get3A_1, %gt3A_22 : vector<1x100000xf32>
      %jit3A = arith.constant 1.000000e+00 : f32
      %broadcast_in_dim3A_24 = vector.broadcast %jit3A : f32 to vector<1x100000xf32>
      %select_n3A = arith.select %gt3A_23, %get3A_1, %broadcast_in_dim3A_24 : vector<1x100000xi1>, vector<1x100000xf32>
      %gt3A_25 = arith.constant 0.000000e+00 : f32
      %gt3A_26 = vector.broadcast %gt3A_25 : f32 to vector<1x100000xf32>
      %gt3A_27 = arith.cmpf ogt, %get3A_1, %gt3A_26 : vector<1x100000xf32>
      %log3A = math.log %select_n3A : vector<1x100000xf32>
      %mul3A_28 = arith.mulf %get3A_1, %log3A : vector<1x100000xf32>
      %jit3A_29 = arith.constant 0.000000e+00 : f32
      %broadcast_in_dim3A_30 = vector.broadcast %jit3A_29 : f32 to vector<1x100000xf32>
      %select_n3A_31 = arith.select %gt3A_27, %mul3A_28, %broadcast_in_dim3A_30 : vector<1x100000xi1>, vector<1x100000xf32>
      %reduce_sum3A_32 = vector.shape_cast %select_n3A_31 : vector<1x100000xf32> to vector<1x1x100000xf32>
      %reduce_sum3A_33 = arith.constant dense<0.000000e+00> : vector<1xf32>
      %reduce_sum3A_34 = vector.multi_reduction <add>, %reduce_sum3A_32, %reduce_sum3A_33 [1, 2] : vector<1x1x100000xf32> to vector<1xf32>
      %reduce_sum3A_35 = vector.shape_cast %reduce_sum3A_34 : vector<1xf32> to vector<1x1x1xf32>
      %reduce_sum3A_36 = vector.extract %reduce_sum3A_35[0, 0, 0] : f32 from vector<1x1x1xf32>
      %mul3A_37 = arith.constant 1.024000e+03 : f32
      %mul3A_38 = arith.mulf %mul3A_37, %reduce_sum3A_36 : f32
      %broadcast_in_dim3A_39 = vector.broadcast %mul3A_38 : f32 to vector<1x1x128xf32>
      %add3A = arith.addf %get3A_21, %broadcast_in_dim3A_39 : vector<1x1x128xf32>
      %swap3A_40 = arith.constant 0 : index
      %swap3A_41 = arith.constant 0 : index
      %swap3A_42 = arith.constant 0 : index
      %swap3A_43 = vector.load %arg3[%swap3A_40, %swap3A_41, %swap3A_42] : memref<1x1x128xf32, #tpu.memory_space<vmem>>, vector<1x1x128xf32>
      tpu.vector_store %arg3[%swap3A_40, %swap3A_41, %swap3A_42], %add3A {strides = array<i32>} : memref<1x1x128xf32, #tpu.memory_space<vmem>>, vector<1x1x128xf32>,
    } else {
    }
    return
  }
  func.func @transform_0(%arg0: i32) -> (i32, i32) {
    %c0_i32 = arith.constant 0 : i32
    %c0_i32_0 = arith.constant 0 : i32
    %c0_i32_1 = arith.constant 0 : i32
    return %c0_i32, %c0_i32_0 : i32, i32
  }
  func.func @transform_1(%arg0: i32) -> (i32, i32) {
    %mul3A = arith.constant 1 : i32
    %mul3A_0 = arith.muli %mul3A, %arg0 : i32
    %add3A = arith.constant 0 : i32
    %add3A_1 = arith.addi %mul3A_0, %add3A : i32
    %c0_i32 = arith.constant 0 : i32
    %c0_i32_2 = arith.constant 0 : i32
    return %add3A_1, %c0_i32 : i32, i32
  }
  func.func @transform_2(%arg0: i32) -> (i32, i32, i32) {
    %c0_i32 = arith.constant 0 : i32
    %c0_i32_0 = arith.constant 0 : i32
    %c0_i32_1 = arith.constant 0 : i32
    return %arg0, %c0_i32, %c0_i32_0 : i32, i32, i32
  }
}

module attributes {stable_mosaic.version = 14 : i64} {
  func.func @_combine_body(%arg0: memref<32x128xf32, #tpu.memory_space<vmem>>, %arg1: memref<8192x1xi32, #tpu.memory_space<vmem>>, %arg2: memref<8192x128xf32, #tpu.memory_space<vmem>>, %arg3: memref<1x1xf32, #tpu.memory_space<smem>>) attributes {dimension_semantics = [], scalar_prefetch = 0 : i64, scratch_operands = 0 : i64, tpu.core_type = #tpu.core_type<tc>} {
    %get3A = arith.constant 0 : index
    %get3A_0 = arith.constant 0 : index
    %get3A_1 = vector.load %arg1[%get3A, %get3A_0] : memref<8192x1xi32, #tpu.memory_space<vmem>>, vector<8192x1xi32>
    %get3A_2 = arith.constant 0 : index
    %get3A_3 = arith.constant 0 : index
    %get3A_4 = vector.load %arg2[%get3A_2, %get3A_3] : memref<8192x128xf32, #tpu.memory_space<vmem>>, vector<8192x128xf32>
    %iota3A = tpu.iota {dimensions = array<i32: 1>} : vector<8192x128xi32>
    %eq3A = vector.broadcast %get3A_1 : vector<8192x1xi32> to vector<8192x128xi32>
    %eq3A_5 = arith.cmpi eq, %iota3A, %eq3A : vector<8192x128xi32>
    %jit3A = arith.constant 0.000000e+00 : f32
    %broadcast_in_dim3A = vector.broadcast %jit3A : f32 to vector<8192x128xf32>
    %select_n3A = arith.select %eq3A_5, %get3A_4, %broadcast_in_dim3A : vector<8192x128xi1>, vector<8192x128xf32>
    %reduce_sum3A = vector.shape_cast %select_n3A : vector<8192x128xf32> to vector<1x8192x128xf32>
    %reduce_sum3A_6 = arith.constant dense<0.000000e+00> : vector<1xf32>
    %reduce_sum3A_7 = vector.multi_reduction <add>, %reduce_sum3A, %reduce_sum3A_6 [1, 2] : vector<1x8192x128xf32> to vector<1xf32>
    %reduce_sum3A_8 = vector.shape_cast %reduce_sum3A_7 : vector<1xf32> to vector<1x1x1xf32>
    %reduce_sum3A_9 = vector.extract %reduce_sum3A_8[0, 0, 0] : f32 from vector<1x1x1xf32>
    %get3A_10 = arith.constant 0 : index
    %get3A_11 = arith.constant 0 : index
    %get3A_12 = vector.load %arg0[%get3A_10, %get3A_11] : memref<32x128xf32, #tpu.memory_space<vmem>>, vector<32x128xf32>
    %reduce_sum3A_13 = vector.shape_cast %get3A_12 : vector<32x128xf32> to vector<1x32x128xf32>
    %reduce_sum3A_14 = arith.constant dense<0.000000e+00> : vector<1xf32>
    %reduce_sum3A_15 = vector.multi_reduction <add>, %reduce_sum3A_13, %reduce_sum3A_14 [1, 2] : vector<1x32x128xf32> to vector<1xf32>
    %reduce_sum3A_16 = vector.shape_cast %reduce_sum3A_15 : vector<1xf32> to vector<1x1x1xf32>
    %reduce_sum3A_17 = vector.extract %reduce_sum3A_16[0, 0, 0] : f32 from vector<1x1x1xf32>
    %div3A = arith.constant 1.280000e+02 : f32
    %div3A_18 = arith.divf %reduce_sum3A_17, %div3A : f32
    %add3A = arith.constant -97.0861053 : f32
    %add3A_19 = arith.addf %div3A_18, %add3A : f32
    %mul3A = arith.constant 8.999990e-01 : f32
    %mul3A_20 = arith.mulf %mul3A, %reduce_sum3A_9 : f32
    %sub3A = arith.subf %add3A_19, %mul3A_20 : f32
    %swap3A = arith.constant 0 : index
    %swap3A_21 = arith.constant 0 : index
    %swap3A_22 = memref.load %arg3[%swap3A, %swap3A_21] : memref<1x1xf32, #tpu.memory_space<smem>>
    memref.store %sub3A, %arg3[%swap3A, %swap3A_21] : memref<1x1xf32, #tpu.memory_space<smem>>
    return
  }
}

</mosaic_0001>

<sc_bundles>
// kernel: kernel.5.cloned.1.call-start
scs
__scs_entry_jumppad:
0x0: {  	(pc) =	sbr.rel $0x88, $3  }
0x1: {  	(tag) =	ssettag $0x0;
	lr =	simm.s32 $0x1  }
0x2: {  	[smem:$0x3F9E] =	sst lr;
	_ =	strace $0xD0000000  }
0x3: {  	_ = 	snop  }
0x4: {  	_ = 	snop  }
0x5: {  	_ = 	snop  }
0x6: {  	_ = 	snop  }
0x7: {  	_ = 	snop  }
__scs_overlays_trampoline_lowered:
0x8: {  	[smem:$0x3FAD] =	sst s0  }
0x9: {  	[smem:$0x3FAE] =	sst s1  }
0xa: {  	[smem:$0x3FAF] =	sst s2  }
0xb: {  	[smem:$0x3FB0] =	sst s3  }
0xc: {  	[smem:$0x3FB1] =	sst s4  }
0xd: {  	[smem:$0x3FB2] =	sst s5  }
0xe: {  	[smem:$0x3FB3] =	sst s6  }
0xf: {  	[smem:$0x3FB4] =	sst s7  }
0x10: {  	[smem:$0x3FB5] =	sst s8  }
0x11: {  	[smem:$0x3FB6] =	sst s9;
	s0 =	simm.s32 @!p0 $0x0  }
0x12: {  	s1 =	sld [smem:$0x3F9C];
	s0 =	simm.s32 @p0 $0x1  }
0x13: {  	[smem:$0x3FB7] =	sst s0;
	s0 =	simm.s32 @!p1 $0x0  }
0x14: {  	s2 =	sld [smem:$0x3F9B];
	s0 =	simm.s32 @p1 $0x1  }
0x15: {  	[smem:$0x3FB8] =	sst s0;
	s0 =	simm.s32 @!p2 $0x0  }
0x16: {  	s3 =	sld [smem:$0x3FDB];
	s0 =	simm.s32 @p2 $0x1  }
0x17: {  	s4 =	simm.s32 $0x1BF5;
	[smem:$0x3FBA] =	sst s0  }
0x18: {  	s0 =	sld [smem:$0x3F9D];
	_ =	swait.ge [sflag:s4], $0x0  }
0x19: {  	s7 =	sld [smem:$0x3F9E]  }
0x1a: {  	s8 =	sadd.s32 $0xFFFFE003, lr  }
0x1b: {  	s9 =	sadd.s32 $0xFFFFFEF7, lr;
	s5 =	simm.s32 $0xFFFFFFFF;
	p2 =	slt.u32 s8, $0xFFFFF086  }
0x1c: {  	p1 =	slt.u32 s9, $0xF7A;
	s5 =	simm.s32 @!p2 $0x0  }
0x1d: {  	s5 =	simm.s32 @p1 $0x1;
	p0 =	seq.s32 s7, s2  }
0x1e: {  	s7 =	smul.u32 @!p0 $0xF7A, s2;
	p2 =	seq.s32 @!p0 s5, $0x0  }
0x1f: {  	s9 =	smul.u32 $0xF7A, s1;
	s8 =	simm.s32 @!p0 $0x1BF5;
	p2 =	por !p2, p0  }
0x20: {  	[sflag:s8] =	ssyncset.s32 @!p0 $0xFFFFF086;
	s6 =	sadd.s32 @!p0 s3, s7;
	s7 =	simm.s32 @!p0 $0x108  }
0x21: {  	s3 =	sadd.s32 s3, s9;
	s6 =	sadd.s32 @!p0 $0x88, s6;
	s7 =	simm.s32 @p2 $0x1082  }
0x22: {  	[simem:s7], [sflag:s8] =	dma.local @!p0 [hbm:s6], $0xF7A  }
0x23: {  	s9 =	sor.u32 $0xD0000000, s2;
	s6 =	simm.s32 $0x108;
	_ =	swait.ge @!p0 [sflag:s8], $0x0  }
0x24: {  	s3 =	sadd.s32 $0x88, s3;
	s6 =	simm.s32 @!p1 $0x1082;
	[sflag:s4] =	ssyncset.s32 $0xFFFFF086  }
0x25: {  	[simem:s6], [sflag:s4] =	dma.local [hbm:s3], $0xF7A  }
0x26: {  	[smem:$0x3F9E] =	sst s1;
	(tag) =	ssettag s2;
	_ =	strace s9  }
0x27: {  	s1 =	sld [smem:$0x3FAE]  }
0x28: {  	s2 =	sld [smem:$0x3FAF]  }
0x29: {  	s4 =	sld [smem:$0x3FB1]  }
0x2a: {  	p0 =	seq.s32 s5, $0x0;
	s5 =	sld [smem:$0x3FB2]  }
0x2b: {  	s6 =	sld [smem:$0x3FB3]  }
0x2c: {  	s7 =	sld [smem:$0x3FB4]  }
0x2d: {  	s3 =	simm.s32 $0x108;
	s8 =	sld [smem:$0x3FB5]  }
0x2e: {  	s3 =	simm.s32 @!p0 $0x1082;
	s9 =	sld [smem:$0x3FB6]  }
0x2f: {  	lr =	sadd.s32 s0, s3;
	s0 =	sld [smem:$0x3FAD]  }
0x30: {  	s3 =	sld [smem:$0x3FB0]  }
0x31: {  	[smem:$0x3FB9] =	sst s10  }
0x32: {  	s10 =	sld [smem:$0x3FB7];
	_ =	sdelay $0x3  }
0x33: {  	p0 =	seq.s32 s10, $0x1;
	s10 =	sld [smem:$0x3FB9];
	_ =	sdelay $0x3  }
0x34: {  	[smem:$0x3FB9] =	sst s10  }
0x35: {  	s10 =	sld [smem:$0x3FB8];
	_ =	sdelay $0x3  }
0x36: {  	p1 =	seq.s32 s10, $0x1;
	s10 =	sld [smem:$0x3FB9];
	_ =	sdelay $0x3  }
0x37: {  	[smem:$0x3FB9] =	sst s10  }
0x38: {  	s10 =	sld [smem:$0x3FBA]  }
0x39: {  	_ = 	snop;
	(pc) =	sbr.ind lr, $3  }
0x3a: {  	_ = 	snop  }
0x3b: {  	_ = 	snop  }
0x3c: {  	p2 =	seq.s32 s10, $0x1;
	s10 =	sld [smem:$0x3FB9]  }
0x3d: {  	_ =	shalt  }
0x3e: {  	_ =	shalt  }
0x3f: {  	_ =	shalt  }
0x40: {  	_ =	shalt  }
0x41: {  	_ =	shalt  }
0x42: {  	_ =	shalt  }
0x43: {  	_ =	shalt  }
0x44: {  	_ =	shalt  }
0x45: {  	_ =	shalt  }
0x46: {  	_ =	shalt  }
0x47: {  	_ =	shalt  }
0x48: {  	_ =	shalt  }
0x49: {  	_ =	shalt  }
0x4a: {  	_ =	shalt  }
0x4b: {  	_ =	shalt  }
0x4c: {  	_ =	shalt  }
0x4d: {  	_ =	shalt  }
0x4e: {  	_ =	shalt  }
0x4f: {  	_ =	shalt  }
0x50: {  	_ =	shalt  }
0x51: {  	_ =	shalt  }
0x52: {  	_ =	shalt  }
0x53: {  	_ =	shalt  }
0x54: {  	_ =	shalt  }
0x55: {  	_ =	shalt  }
0x56: {  	_ =	shalt  }
0x57: {  	_ =	shalt  }
0x58: {  	_ =	shalt  }
0x59: {  	_ =	shalt  }
0x5a: {  	_ =	shalt  }
0x5b: {  	_ =	shalt  }
0x5c: {  	_ =	shalt  }
0x5d: {  	_ =	shalt  }
0x5e: {  	_ =	shalt  }
0x5f: {  	_ =	shalt  }
0x60: {  	_ =	shalt  }
0x61: {  	_ =	shalt  }
0x62: {  	_ =	shalt  }
0x63: {  	_ =	shalt  }
0x64: {  	_ =	shalt  }
0x65: {  	_ =	shalt  }
0x66: {  	_ =	shalt  }
0x67: {  	_ =	shalt  }
0x68: {  	_ =	shalt  }
0x69: {  	_ =	shalt  }
0x6a: {  	_ =	shalt  }
0x6b: {  	_ =	shalt  }
0x6c: {  	_ =	shalt  }
0x6d: {  	_ =	shalt  }
0x6e: {  	_ =	shalt  }
0x6f: {  	_ =	shalt  }
0x70: {  	_ =	shalt  }
0x71: {  	_ =	shalt  }
0x72: {  	_ =	shalt  }
0x73: {  	_ =	shalt  }
0x74: {  	_ =	shalt  }
0x75: {  	_ =	shalt  }
0x76: {  	_ =	shalt  }
0x77: {  	_ =	shalt  }
0x78: {  	_ =	shalt  }
0x79: {  	_ =	shalt  }
0x7a: {  	_ =	shalt  }
0x7b: {  	_ =	shalt  }
0x7c: {  	_ =	shalt  }
0x7d: {  	_ =	shalt  }
0x7e: {  	_ =	shalt  }
0x7f: {  	_ =	shalt  }
0x80: {  	_ =	shalt  }
0x81: {  	_ =	shalt  }
0x82: {  	_ =	shalt  }
0x83: {  	_ =	shalt  }
0x84: {  	_ =	shalt  }
0x85: {  	_ =	shalt  }
0x86: {  	_ =	shalt  }
0x87: {  	_ =	shalt  }
.Lfunc_end0:
.L_simem_size_0:
called_computation_lowered:
.L_overlay_start_0:
0x88: {  	s2 =	sld [smem:$0x3FD9]  }
0x89: {  	s3 =	sld [smem:$0x3FFE];
	_ =	sdelay $0x1  }
0x8a: {  	s1 =	srdreg.scid  }
0x8b: {  	s0 =	sand.u32 $0x1, s1  }
0x8c: {  	s21 =	sshll.u32 s0, $0xA;
	s2 =	sadd.s32 s3, s2  }
0x8d: {  	s2 =	sadd.s32 s2, s21  }
0x8e: {  	s22 =	simm.s32 $0x0;
	[smem:$0x3FC5] =	sst s2  }
0x8f: {  	[smem:$0xF] =	sst s22  }
0x90: {  	(tm) =	ssettm $0x1  }
0x91: {  	s23 =	sld [smem:$0x3FFB];
	_ =	sdelay $0x3  }
0x92: {  	_ =	strace s23  }
0x93: {  	s2 =	sld [smem:$0x3FFC];
	_ =	sdelay $0x3  }
0x94: {  	_ =	strace s2  }
0x95: {  	s2 =	sld [smem:$0x3FFD];
	_ =	sdelay $0x3  }
0x96: {  	_ =	strace s2  }
0x97: {  	s24 =	simm.s32 $0x1B8B;
	_ =	strace $0x8FFFFFFF  }
0x98: {  	_ =	swait.ge [sflag:s24], $0x1  }
0x99: {  	s4 =	sld [smem:$0x3FFE];
	_ =	sdelay $0x1  }
0x9a: {  	[sflag:s24] =	ssyncset.done $0x0  }
0x9b: {  	s25 =	simm.s32 $0x1B8E;
	s2 =	sshll.u32 s0, $0x6;
	[sflag:s24] =	ssyncadd.s32 $0xFFFFFFFF  }
0x9c: {  	s5 =	simm.s32 $0x9;
	[smem:$0x3FD2] =	sst s25;
	s26 =	sadd.s32 s2, s4  }
0x9d: {  	s6 =	simm.s32 $0x10;
	_ =	strace $0x80000046;
	s3 =	sadd.s32 $0xC39000, s26  }
0x9e: {  	[smem:s6], [sflag:s5] =	dma.local [hbm:s3], $0x40  }
0x9f: {  	_ =	swait.ge [sflag:s5], $0x40  }
0xa0: {  	[sflag:s5] =	ssyncset.done $0x0  }
0xa1: {  	[sflag:s5] =	ssyncadd.s32 $0xFFFFFFC0  }
0xa2: {  	s28 =	sld [smem:$0x10];
	_ =	sdelay $0x2  }
0xa3: {  	s29 =	sadd.s32 $0x0, s2  }
0xa4: {  	s5 =	smul.u32 $0xC3800, s29;
	s3 =	sshll.u32 s28, $0x3  }
0xa5: {  	s3 =	sand.u32 $0x7FFFFC00, s3  }
0xa6: {  	s7 =	simm.s32 $0x11;
	s30 =	sshll.u32 s0, $0x10;
	s5 =	sadd.s32 s5, s3  }
0xa7: {  	s3 =	sadd.s32 $0xE00, s4;
	s4 =	sadd.s32 s30, s4;
	s31 =	sshrl.u32 s5, $0x3  }
0xa8: {  	s5 =	sadd.s32 $0xC39200, s4;
	s4 =	simm.s32 $0xA;
	s6 =	sadd.s32 s3, s31  }
0xa9: {  	[hbm:s5], [sflag:s4] =	dma.local [hbm:s6], $0x80  }
0xaa: {  	s8 =	simm.s32 $0x2;
	s6 =	simm.s32 $0x1;
	s9 =	sld [smem:$0x11]  }
.LBB1_1:
0xab: {  	p0 =	sne.s32 s8, $0x1FF  }
0xac: {  	s10 =	sshrl.u32 s6, $0x3;
	s6 =	smov.u32 s8  }
0xad: {  	s10 =	sadd.s32 s2, s10  }
0xae: {  	s10 =	smul.u32 $0xC3800, s10;
	s9 =	sshll.u32 s9, $0x3  }
0xaf: {  	s9 =	sand.u32 $0x7FFFFC00, s9  }
0xb0: {  	s9 =	sadd.s32 s10, s9  }
.Ltmp0:
0xb1: {  	s9 =	sshrl.u32 s9, $0x3;
	(pc) =	sbr.rel @p0 .LBB1_1-.Ltmp0, $3  }
0xb2: {  	s7 =	sadd.s32 $0x1, s7;
	s5 =	sadd.s32 $0x80, s5;
	s9 =	sadd.s32 s3, s9  }
0xb3: {  	[hbm:s5], [sflag:s4] =	dma.local [hbm:s9], $0x80  }
0xb4: {  	s8 =	sadd.s32 $0x1, s8;
	s9 =	sld [smem:s7+$0x0]  }
0xb5: {  	_ = 	snop  }
0xb6: {  	s6 =	sshrl.u32 s6, $0x3  }
0xb7: {  	s2 =	sadd.s32 s2, s6  }
0xb8: {  	s2 =	smul.u32 $0xC3800, s2;
	s25 =	sshll.u32 s9, $0x3  }
0xb9: {  	s6 =	sand.u32 $0x7FFFFC00, s25  }
0xba: {  	s2 =	sadd.s32 s2, s6  }
0xbb: {  	s2 =	sshrl.u32 s2, $0x3  }
0xbc: {  	s26 =	sadd.s32 $0x80, s5;
	s28 =	simm.s32 $0xA;
	s2 =	sadd.s32 s3, s2  }
0xbd: {  	[hbm:s26], [sflag:s4] =	dma.local [hbm:s2], $0x80  }
0xbe: {  	_ =	swait.ge [sflag:s28], $0x10000  }
0xbf: {  	[sflag:s28] =	ssyncset.done $0x0  }
0xc0: {  	[sflag:s28] =	ssyncadd.s32 $0xFFFF0000  }
0xc1: {  	_ =	strace $0x90000046  }
0xc2: {  	_ =	sfence  }
0xc3: {  	s29 =	sld [smem:$0x0];
	_ =	sdelay $0x2  }
0xc4: {  	s30 =	sshll.u32 s1, $0xD;
	s31 =	sshrl.u32 s1, $0x2  }
0xc5: {  	s3 =	sand.u32 $0x4000, s30;
	s1 =	sadd.s32 s31, s29  }
0xc6: {  	s0 =	sor.u32 s3, s0;
	s1 =	sshll.u32 s1, $0x11  }
0xc7: {  	s0 =	sor.u32 s1, s0  }
0xc8: {  	s0 =	sadd.s32 $0x8F2B, s0;
	(pc) =	sbr.abs _section_cstart, $3  }
0xc9: {  	[sflag:s0] =	ssyncadd.remote.s32 $0x1  }
0xca: {  	_ =	strace $0x9FFFFFFF  }
0xcb: {  	(tm) =	ssettm $0x7FFFFFFF  }

</sc_bundles>
